<compile_context>
chip_gen: v7x
topology: tpu7x:2x2x1
jax: 0.10.2.dev20260603
libtpu: 0.0.44.dev20260713+nightly
codegen_flags: <defaults>
</compile_context>

<pallas_src>
import functools

import jax
import jax.numpy as jnp
from jax import lax
from jax.experimental import pallas as pl
from jax.experimental.pallas import tpu as pltpu
from jax.experimental.pallas import tpu_sc as plsc

_STATE_DIM = 1024
_BUFFER_SIZE = 4096
_BATCH = 2048

_BR = 1024
_NB = _BUFFER_SIZE // _BR
_SPLIT = _BATCH // _BR


def _tc_body(state_ref, buf_ref, out_ref):
    b = pl.program_id(0)

    @pl.when(b < _SPLIT)
    def _():
        out_ref[...] = state_ref[...]

    @pl.when(b >= _SPLIT)
    def _():
        out_ref[...] = buf_ref[...]


def _tc_copy(state, buf):
    return pl.pallas_call(
        _tc_body,
        grid=(_NB,),
        out_shape=jax.ShapeDtypeStruct((_BUFFER_SIZE, _STATE_DIM), jnp.float32),
        in_specs=[
            pl.BlockSpec((_BR, _STATE_DIM), lambda b: (jnp.minimum(b, _SPLIT - 1), 0)),
            pl.BlockSpec((_BR, _STATE_DIM), lambda b: (jnp.maximum(b, _SPLIT), 0)),
        ],
        out_specs=pl.BlockSpec((_BR, _STATE_DIM), lambda b: (b, 0)),
    )(state, buf)


_NC = 2
_NS = 16
_NW = _NC * _NS
_ROWS_PER_W = _BATCH // _NW
_CH = 32
_NCHUNK = _ROWS_PER_W // _CH
_NTOT = 2 * _NCHUNK
_RING = 3


def _sc_body(state, buf, out, v0, v1, v2, gsems, ssems):
    wid = lax.axis_index("s") * _NC + lax.axis_index("c")
    base = wid * _ROWS_PER_W
    vbufs = (v0, v1, v2)

    def parts(j):
        half, c = divmod(j, _NCHUNK)
        if half == 0:
            src = state
            rows = pl.ds(base + c * _CH, _CH)
        else:
            src = buf
            rows = pl.ds(_BATCH + base + c * _CH, _CH)
        return src, rows

    def gather_copy(j):
        src, rows = parts(j)
        return pltpu.make_async_copy(
            src.at[rows], vbufs[j % _RING], gsems.at[j % _RING]
        )

    def scatter_copy(j):
        _, rows = parts(j)
        return pltpu.make_async_copy(
            vbufs[j % _RING], out.at[rows], ssems.at[j % _RING]
        )

    for j in range(_RING):
        gather_copy(j).start()
    for j in range(_NTOT):
        gather_copy(j).wait()
        scatter_copy(j).start()
        if j + _RING < _NTOT:
            scatter_copy(j).wait()
            gather_copy(j + _RING).start()
    for j in range(_NTOT - _RING, _NTOT):
        scatter_copy(j).wait()


_sc_copy = functools.partial(
    pl.kernel,
    out_type=jax.ShapeDtypeStruct((_BUFFER_SIZE, _STATE_DIM), jnp.float32),
    mesh=plsc.VectorSubcoreMesh(
        core_axis_name="c", subcore_axis_name="s", num_cores=_NC, num_subcores=_NS
    ),
    scratch_types=[
        pltpu.VMEM((_CH, _STATE_DIM), jnp.float32),
        pltpu.VMEM((_CH, _STATE_DIM), jnp.float32),
        pltpu.VMEM((_CH, _STATE_DIM), jnp.float32),
        pltpu.SemaphoreType.DMA((_RING,)),
        pltpu.SemaphoreType.DMA((_RING,)),
    ],
)(_sc_body)


def kernel(tactical_state, strategic_state, tactical_buffer, strategic_buffer, buffer_index):
    new_strategic = _sc_copy(strategic_state, strategic_buffer)
    new_tactical = _tc_copy(tactical_state, tactical_buffer)
    n = min(_BATCH, _BUFFER_SIZE)
    new_index = jnp.asarray(
        ((buffer_index + n) % (_BUFFER_SIZE * 1000)) % _BUFFER_SIZE, dtype=jnp.int32
    )
    return new_tactical, new_strategic, new_index

# --- scband reference (transcript-rebuilt; emitter-appended) ---
"""Pipeline reference for scband-system-state-manager-85547158602034 (READ-ONLY COPY).

The authoritative reference and input builder live on the scoring server;
editing this copy changes nothing except your own understanding.
"""

import jax, jax.numpy as jnp
import numpy as np

STATE_DIM = 1024
BUFFER_SIZE = 4096
BATCH = 2048


def setup_inputs(seed: int = 0) -> dict:
    key = jax.random.key(seed)
    k1, k2 = jax.random.split(key)
    return {
        "tactical_state": jax.random.normal(k1, (BATCH, STATE_DIM), dtype=jnp.float32),
        "strategic_state": jax.random.normal(k2, (BATCH, STATE_DIM), dtype=jnp.float32),
        "tactical_buffer": jnp.zeros((BUFFER_SIZE, STATE_DIM), dtype=jnp.float32),
        "strategic_buffer": jnp.zeros((BUFFER_SIZE, STATE_DIM), dtype=jnp.float32),
        "buffer_index": 0,
    }


def reference(tactical_state, strategic_state, tactical_buffer, strategic_buffer, buffer_index):
    # Faithful translation of SystemStateManager.update_buffers:
    #   for i in range(min(B, buffer_size)):
    #       idx = (current_idx + i) % buffer_size
    #       buffer[idx] = state[i].detach()
    # state_dim matches so no pad/truncate branch is taken.
    batch_size = tactical_state.shape[0]
    n = min(batch_size, BUFFER_SIZE)
    idx = (buffer_index + jnp.arange(n, dtype=jnp.int32)) % BUFFER_SIZE
    # .detach() -> stop_gradient; scatter-overwrite -> .at[idx].set
    new_tactical = tactical_buffer.at[idx].set(jax.lax.stop_gradient(tactical_state[:n]))
    new_strategic = strategic_buffer.at[idx].set(jax.lax.stop_gradient(strategic_state[:n]))
    new_index = jnp.asarray(((buffer_index + n) % (BUFFER_SIZE * 1000)) % BUFFER_SIZE, dtype=jnp.int32)
    return new_tactical, new_strategic, new_index

if __name__ == "__main__":
    import jax
    _d = setup_inputs()
    print(jax.jit(kernel)(*tuple(_d.values())))

</pallas_src>

<mosaic_0001>
#map = affine_map<(d0, d1) -> (0, 0)>
module attributes {stable_mosaic.version = 14 : i64} {
  func.func @_sc_body(%arg0: i32, %arg1: i32, %arg2: memref<2048x1024xf32, #tpu.memory_space<hbm>>, %arg3: memref<4096x1024xf32, #tpu.memory_space<hbm>>, %arg4: memref<4096x1024xf32, #tpu.memory_space<hbm>>, %arg5: memref<32x1024xf32, #tpu.memory_space<vmem>>, %arg6: memref<32x1024xf32, #tpu.memory_space<vmem>>, %arg7: memref<32x1024xf32, #tpu.memory_space<vmem>>, %arg8: memref<3x!tpu.dma_semaphore, #tpu.memory_space<semaphore_mem>>, %arg9: memref<3x!tpu.dma_semaphore, #tpu.memory_space<semaphore_mem>>) attributes {dimension_semantics = [#tpu.dimension_semantics<core_parallel>, #tpu.dimension_semantics<subcore_parallel>], iteration_bounds = array<i64: 2, 16>, scalar_prefetch = 0 : i64, scratch_operands = 5 : i64, tpu.core_type = #tpu.core_type<sc_vector_subcore>, window_params = [{transform_indices = #map}, {transform_indices = #map}, {transform_indices = #map}]} {
    %mul3A = arith.constant 2 : i32
    %mul3A_0 = arith.muli %arg1, %mul3A : i32
    %add3A = arith.addi %mul3A_0, %arg0 : i32
    %mul3A_1 = arith.constant 64 : i32
    %mul3A_2 = arith.muli %add3A, %mul3A_1 : i32
    %add3A_3 = arith.constant 0 : i32
    %add3A_4 = arith.addi %mul3A_2, %add3A_3 : i32
    %dma_start3A = arith.constant 0 : i32
    %dma_start3A_5 = arith.constant 0 : i32
    %dma_start3A_6 = tpu.memref_slice %arg2[%add3A_4, %dma_start3A_5] : memref<2048x1024xf32, #tpu.memory_space<hbm>> -> memref<32x1024xf32, #tpu.memory_space<hbm>>
    %dma_start3A_7 = tpu.memref_slice %arg8[%dma_start3A] : memref<3x!tpu.dma_semaphore, #tpu.memory_space<semaphore_mem>> -> memref<1x!tpu.dma_semaphore, #tpu.memory_space<semaphore_mem>>
    %dma_start3A_8 = tpu.memref_squeeze %dma_start3A_7 : memref<1x!tpu.dma_semaphore, #tpu.memory_space<semaphore_mem>> -> memref<!tpu.dma_semaphore, #tpu.memory_space<semaphore_mem>>
    %dma_start3A_9 = arith.constant 0 : i32
    %dma_start3A_10 = tpu.memref_slice %arg2[%add3A_4, %dma_start3A_9] : memref<2048x1024xf32, #tpu.memory_space<hbm>> -> memref<32x1024xf32, #tpu.memory_space<hbm>>
    tpu.enqueue_dma source(%dma_start3A_10 : memref<32x1024xf32, #tpu.memory_space<hbm>>) target(%arg5 : memref<32x1024xf32, #tpu.memory_space<vmem>>) target_semaphore(%dma_start3A_8 : memref<!tpu.dma_semaphore, #tpu.memory_space<semaphore_mem>>)
    %add3A_11 = arith.constant 32 : i32
    %add3A_12 = arith.addi %mul3A_2, %add3A_11 : i32
    %dma_start3A_13 = arith.constant 1 : i32
    %dma_start3A_14 = arith.constant 0 : i32
    %dma_start3A_15 = tpu.memref_slice %arg2[%add3A_12, %dma_start3A_14] : memref<2048x1024xf32, #tpu.memory_space<hbm>> -> memref<32x1024xf32, #tpu.memory_space<hbm>>
    %dma_start3A_16 = tpu.memref_slice %arg8[%dma_start3A_13] : memref<3x!tpu.dma_semaphore, #tpu.memory_space<semaphore_mem>> -> memref<1x!tpu.dma_semaphore, #tpu.memory_space<semaphore_mem>>
    %dma_start3A_17 = tpu.memref_squeeze %dma_start3A_16 : memref<1x!tpu.dma_semaphore, #tpu.memory_space<semaphore_mem>> -> memref<!tpu.dma_semaphore, #tpu.memory_space<semaphore_mem>>
    %dma_start3A_18 = arith.constant 0 : i32
    %dma_start3A_19 = tpu.memref_slice %arg2[%add3A_12, %dma_start3A_18] : memref<2048x1024xf32, #tpu.memory_space<hbm>> -> memref<32x1024xf32, #tpu.memory_space<hbm>>
    tpu.enqueue_dma source(%dma_start3A_19 : memref<32x1024xf32, #tpu.memory_space<hbm>>) target(%arg6 : memref<32x1024xf32, #tpu.memory_space<vmem>>) target_semaphore(%dma_start3A_17 : memref<!tpu.dma_semaphore, #tpu.memory_space<semaphore_mem>>)
    %add3A_20 = arith.constant 2048 : i32
    %add3A_21 = arith.addi %add3A_20, %mul3A_2 : i32
    %add3A_22 = arith.constant 0 : i32
    %add3A_23 = arith.addi %add3A_21, %add3A_22 : i32
    %dma_start3A_24 = arith.constant 2 : i32
    %dma_start3A_25 = arith.constant 0 : i32
    %dma_start3A_26 = tpu.memref_slice %arg3[%add3A_23, %dma_start3A_25] : memref<4096x1024xf32, #tpu.memory_space<hbm>> -> memref<32x1024xf32, #tpu.memory_space<hbm>>
    %dma_start3A_27 = tpu.memref_slice %arg8[%dma_start3A_24] : memref<3x!tpu.dma_semaphore, #tpu.memory_space<semaphore_mem>> -> memref<1x!tpu.dma_semaphore, #tpu.memory_space<semaphore_mem>>
    %dma_start3A_28 = tpu.memref_squeeze %dma_start3A_27 : memref<1x!tpu.dma_semaphore, #tpu.memory_space<semaphore_mem>> -> memref<!tpu.dma_semaphore, #tpu.memory_space<semaphore_mem>>
    %dma_start3A_29 = arith.constant 0 : i32
    %dma_start3A_30 = tpu.memref_slice %arg3[%add3A_23, %dma_start3A_29] : memref<4096x1024xf32, #tpu.memory_space<hbm>> -> memref<32x1024xf32, #tpu.memory_space<hbm>>
    tpu.enqueue_dma source(%dma_start3A_30 : memref<32x1024xf32, #tpu.memory_space<hbm>>) target(%arg7 : memref<32x1024xf32, #tpu.memory_space<vmem>>) target_semaphore(%dma_start3A_28 : memref<!tpu.dma_semaphore, #tpu.memory_space<semaphore_mem>>)
    %add3A_31 = arith.constant 0 : i32
    %add3A_32 = arith.addi %mul3A_2, %add3A_31 : i32
    %dma_wait3A = arith.constant 0 : i32
    %dma_wait3A_33 = arith.constant 0 : i32
    %dma_wait3A_34 = tpu.memref_slice %arg2[%add3A_32, %dma_wait3A_33] : memref<2048x1024xf32, #tpu.memory_space<hbm>> -> memref<32x1024xf32, #tpu.memory_space<hbm>>
    %dma_wait3A_35 = tpu.memref_slice %arg8[%dma_wait3A] : memref<3x!tpu.dma_semaphore, #tpu.memory_space<semaphore_mem>> -> memref<1x!tpu.dma_semaphore, #tpu.memory_space<semaphore_mem>>
    %dma_wait3A_36 = tpu.memref_squeeze %dma_wait3A_35 : memref<1x!tpu.dma_semaphore, #tpu.memory_space<semaphore_mem>> -> memref<!tpu.dma_semaphore, #tpu.memory_space<semaphore_mem>>
    %dma_wait3A_37 = arith.constant 0 : i32
    %dma_wait3A_38 = tpu.memref_slice %arg2[%add3A_32, %dma_wait3A_37] : memref<2048x1024xf32, #tpu.memory_space<hbm>> -> memref<32x1024xf32, #tpu.memory_space<hbm>>
    tpu.wait_dma2 semaphore(%dma_wait3A_36 : memref<!tpu.dma_semaphore, #tpu.memory_space<semaphore_mem>>) src(%dma_wait3A_38 : memref<32x1024xf32, #tpu.memory_space<hbm>>) dst(%arg5 : memref<32x1024xf32, #tpu.memory_space<vmem>>)
    %add3A_39 = arith.constant 0 : i32
    %add3A_40 = arith.addi %mul3A_2, %add3A_39 : i32
    %dma_start3A_41 = arith.constant 0 : i32
    %dma_start3A_42 = arith.constant 0 : i32
    %dma_start3A_43 = tpu.memref_slice %arg4[%add3A_40, %dma_start3A_42] : memref<4096x1024xf32, #tpu.memory_space<hbm>> -> memref<32x1024xf32, #tpu.memory_space<hbm>>
    %dma_start3A_44 = tpu.memref_slice %arg9[%dma_start3A_41] : memref<3x!tpu.dma_semaphore, #tpu.memory_space<semaphore_mem>> -> memref<1x!tpu.dma_semaphore, #tpu.memory_space<semaphore_mem>>
    %dma_start3A_45 = tpu.memref_squeeze %dma_start3A_44 : memref<1x!tpu.dma_semaphore, #tpu.memory_space<semaphore_mem>> -> memref<!tpu.dma_semaphore, #tpu.memory_space<semaphore_mem>>
    %dma_start3A_46 = arith.constant 0 : i32
    %dma_start3A_47 = tpu.memref_slice %arg4[%add3A_40, %dma_start3A_46] : memref<4096x1024xf32, #tpu.memory_space<hbm>> -> memref<32x1024xf32, #tpu.memory_space<hbm>>
    tpu.enqueue_dma source(%arg5 : memref<32x1024xf32, #tpu.memory_space<vmem>>) target(%dma_start3A_47 : memref<32x1024xf32, #tpu.memory_space<hbm>>) target_semaphore(%dma_start3A_45 : memref<!tpu.dma_semaphore, #tpu.memory_space<semaphore_mem>>)
    %add3A_48 = arith.constant 0 : i32
    %add3A_49 = arith.addi %mul3A_2, %add3A_48 : i32
    %dma_wait3A_50 = arith.constant 0 : i32
    %dma_wait3A_51 = arith.constant 0 : i32
    %dma_wait3A_52 = tpu.memref_slice %arg4[%add3A_49, %dma_wait3A_51] : memref<4096x1024xf32, #tpu.memory_space<hbm>> -> memref<32x1024xf32, #tpu.memory_space<hbm>>
    %dma_wait3A_53 = tpu.memref_slice %arg9[%dma_wait3A_50] : memref<3x!tpu.dma_semaphore, #tpu.memory_space<semaphore_mem>> -> memref<1x!tpu.dma_semaphore, #tpu.memory_space<semaphore_mem>>
    %dma_wait3A_54 = tpu.memref_squeeze %dma_wait3A_53 : memref<1x!tpu.dma_semaphore, #tpu.memory_space<semaphore_mem>> -> memref<!tpu.dma_semaphore, #tpu.memory_space<semaphore_mem>>
    %dma_wait3A_55 = arith.constant 0 : i32
    %dma_wait3A_56 = tpu.memref_slice %arg4[%add3A_49, %dma_wait3A_55] : memref<4096x1024xf32, #tpu.memory_space<hbm>> -> memref<32x1024xf32, #tpu.memory_space<hbm>>
    tpu.wait_dma2 semaphore(%dma_wait3A_54 : memref<!tpu.dma_semaphore, #tpu.memory_space<semaphore_mem>>) src(%arg5 : memref<32x1024xf32, #tpu.memory_space<vmem>>) dst(%dma_wait3A_56 : memref<32x1024xf32, #tpu.memory_space<hbm>>)
    %add3A_57 = arith.constant 2048 : i32
    %add3A_58 = arith.addi %add3A_57, %mul3A_2 : i32
    %add3A_59 = arith.constant 32 : i32
    %add3A_60 = arith.addi %add3A_58, %add3A_59 : i32
    %dma_start3A_61 = arith.constant 0 : i32
    %dma_start3A_62 = arith.constant 0 : i32
    %dma_start3A_63 = tpu.memref_slice %arg3[%add3A_60, %dma_start3A_62] : memref<4096x1024xf32, #tpu.memory_space<hbm>> -> memref<32x1024xf32, #tpu.memory_space<hbm>>
    %dma_start3A_64 = tpu.memref_slice %arg8[%dma_start3A_61] : memref<3x!tpu.dma_semaphore, #tpu.memory_space<semaphore_mem>> -> memref<1x!tpu.dma_semaphore, #tpu.memory_space<semaphore_mem>>
    %dma_start3A_65 = tpu.memref_squeeze %dma_start3A_64 : memref<1x!tpu.dma_semaphore, #tpu.memory_space<semaphore_mem>> -> memref<!tpu.dma_semaphore, #tpu.memory_space<semaphore_mem>>
    %dma_start3A_66 = arith.constant 0 : i32
    %dma_start3A_67 = tpu.memref_slice %arg3[%add3A_60, %dma_start3A_66] : memref<4096x1024xf32, #tpu.memory_space<hbm>> -> memref<32x1024xf32, #tpu.memory_space<hbm>>
    tpu.enqueue_dma source(%dma_start3A_67 : memref<32x1024xf32, #tpu.memory_space<hbm>>) target(%arg5 : memref<32x1024xf32, #tpu.memory_space<vmem>>) target_semaphore(%dma_start3A_65 : memref<!tpu.dma_semaphore, #tpu.memory_space<semaphore_mem>>)
    %add3A_68 = arith.constant 32 : i32
    %add3A_69 = arith.addi %mul3A_2, %add3A_68 : i32
    %dma_wait3A_70 = arith.constant 1 : i32
    %dma_wait3A_71 = arith.constant 0 : i32
    %dma_wait3A_72 = tpu.memref_slice %arg2[%add3A_69, %dma_wait3A_71] : memref<2048x1024xf32, #tpu.memory_space<hbm>> -> memref<32x1024xf32, #tpu.memory_space<hbm>>
    %dma_wait3A_73 = tpu.memref_slice %arg8[%dma_wait3A_70] : memref<3x!tpu.dma_semaphore, #tpu.memory_space<semaphore_mem>> -> memref<1x!tpu.dma_semaphore, #tpu.memory_space<semaphore_mem>>
    %dma_wait3A_74 = tpu.memref_squeeze %dma_wait3A_73 : memref<1x!tpu.dma_semaphore, #tpu.memory_space<semaphore_mem>> -> memref<!tpu.dma_semaphore, #tpu.memory_space<semaphore_mem>>
    %dma_wait3A_75 = arith.constant 0 : i32
    %dma_wait3A_76 = tpu.memref_slice %arg2[%add3A_69, %dma_wait3A_75] : memref<2048x1024xf32, #tpu.memory_space<hbm>> -> memref<32x1024xf32, #tpu.memory_space<hbm>>
    tpu.wait_dma2 semaphore(%dma_wait3A_74 : memref<!tpu.dma_semaphore, #tpu.memory_space<semaphore_mem>>) src(%dma_wait3A_76 : memref<32x1024xf32, #tpu.memory_space<hbm>>) dst(%arg6 : memref<32x1024xf32, #tpu.memory_space<vmem>>)
    %add3A_77 = arith.constant 32 : i32
    %add3A_78 = arith.addi %mul3A_2, %add3A_77 : i32
    %dma_start3A_79 = arith.constant 1 : i32
    %dma_start3A_80 = arith.constant 0 : i32
    %dma_start3A_81 = tpu.memref_slice %arg4[%add3A_78, %dma_start3A_80] : memref<4096x1024xf32, #tpu.memory_space<hbm>> -> memref<32x1024xf32, #tpu.memory_space<hbm>>
    %dma_start3A_82 = tpu.memref_slice %arg9[%dma_start3A_79] : memref<3x!tpu.dma_semaphore, #tpu.memory_space<semaphore_mem>> -> memref<1x!tpu.dma_semaphore, #tpu.memory_space<semaphore_mem>>
    %dma_start3A_83 = tpu.memref_squeeze %dma_start3A_82 : memref<1x!tpu.dma_semaphore, #tpu.memory_space<semaphore_mem>> -> memref<!tpu.dma_semaphore, #tpu.memory_space<semaphore_mem>>
    %dma_start3A_84 = arith.constant 0 : i32
    %dma_start3A_85 = tpu.memref_slice %arg4[%add3A_78, %dma_start3A_84] : memref<4096x1024xf32, #tpu.memory_space<hbm>> -> memref<32x1024xf32, #tpu.memory_space<hbm>>
    tpu.enqueue_dma source(%arg6 : memref<32x1024xf32, #tpu.memory_space<vmem>>) target(%dma_start3A_85 : memref<32x1024xf32, #tpu.memory_space<hbm>>) target_semaphore(%dma_start3A_83 : memref<!tpu.dma_semaphore, #tpu.memory_space<semaphore_mem>>)
    %add3A_86 = arith.constant 2048 : i32
    %add3A_87 = arith.addi %add3A_86, %mul3A_2 : i32
    %add3A_88 = arith.constant 0 : i32
    %add3A_89 = arith.addi %add3A_87, %add3A_88 : i32
    %dma_wait3A_90 = arith.constant 2 : i32
    %dma_wait3A_91 = arith.constant 0 : i32
    %dma_wait3A_92 = tpu.memref_slice %arg3[%add3A_89, %dma_wait3A_91] : memref<4096x1024xf32, #tpu.memory_space<hbm>> -> memref<32x1024xf32, #tpu.memory_space<hbm>>
    %dma_wait3A_93 = tpu.memref_slice %arg8[%dma_wait3A_90] : memref<3x!tpu.dma_semaphore, #tpu.memory_space<semaphore_mem>> -> memref<1x!tpu.dma_semaphore, #tpu.memory_space<semaphore_mem>>
    %dma_wait3A_94 = tpu.memref_squeeze %dma_wait3A_93 : memref<1x!tpu.dma_semaphore, #tpu.memory_space<semaphore_mem>> -> memref<!tpu.dma_semaphore, #tpu.memory_space<semaphore_mem>>
    %dma_wait3A_95 = arith.constant 0 : i32
    %dma_wait3A_96 = tpu.memref_slice %arg3[%add3A_89, %dma_wait3A_95] : memref<4096x1024xf32, #tpu.memory_space<hbm>> -> memref<32x1024xf32, #tpu.memory_space<hbm>>
    tpu.wait_dma2 semaphore(%dma_wait3A_94 : memref<!tpu.dma_semaphore, #tpu.memory_space<semaphore_mem>>) src(%dma_wait3A_96 : memref<32x1024xf32, #tpu.memory_space<hbm>>) dst(%arg7 : memref<32x1024xf32, #tpu.memory_space<vmem>>)
    %add3A_97 = arith.constant 2048 : i32
    %add3A_98 = arith.addi %add3A_97, %mul3A_2 : i32
    %add3A_99 = arith.constant 0 : i32
    %add3A_100 = arith.addi %add3A_98, %add3A_99 : i32
    %dma_start3A_101 = arith.constant 2 : i32
    %dma_start3A_102 = arith.constant 0 : i32
    %dma_start3A_103 = tpu.memref_slice %arg4[%add3A_100, %dma_start3A_102] : memref<4096x1024xf32, #tpu.memory_space<hbm>> -> memref<32x1024xf32, #tpu.memory_space<hbm>>
    %dma_start3A_104 = tpu.memref_slice %arg9[%dma_start3A_101] : memref<3x!tpu.dma_semaphore, #tpu.memory_space<semaphore_mem>> -> memref<1x!tpu.dma_semaphore, #tpu.memory_space<semaphore_mem>>
    %dma_start3A_105 = tpu.memref_squeeze %dma_start3A_104 : memref<1x!tpu.dma_semaphore, #tpu.memory_space<semaphore_mem>> -> memref<!tpu.dma_semaphore, #tpu.memory_space<semaphore_mem>>
    %dma_start3A_106 = arith.constant 0 : i32
    %dma_start3A_107 = tpu.memref_slice %arg4[%add3A_100, %dma_start3A_106] : memref<4096x1024xf32, #tpu.memory_space<hbm>> -> memref<32x1024xf32, #tpu.memory_space<hbm>>
    tpu.enqueue_dma source(%arg7 : memref<32x1024xf32, #tpu.memory_space<vmem>>) target(%dma_start3A_107 : memref<32x1024xf32, #tpu.memory_space<hbm>>) target_semaphore(%dma_start3A_105 : memref<!tpu.dma_semaphore, #tpu.memory_space<semaphore_mem>>)
    %add3A_108 = arith.constant 2048 : i32
    %add3A_109 = arith.addi %add3A_108, %mul3A_2 : i32
    %add3A_110 = arith.constant 32 : i32
    %add3A_111 = arith.addi %add3A_109, %add3A_110 : i32
    %dma_wait3A_112 = arith.constant 0 : i32
    %dma_wait3A_113 = arith.constant 0 : i32
    %dma_wait3A_114 = tpu.memref_slice %arg3[%add3A_111, %dma_wait3A_113] : memref<4096x1024xf32, #tpu.memory_space<hbm>> -> memref<32x1024xf32, #tpu.memory_space<hbm>>
    %dma_wait3A_115 = tpu.memref_slice %arg8[%dma_wait3A_112] : memref<3x!tpu.dma_semaphore, #tpu.memory_space<semaphore_mem>> -> memref<1x!tpu.dma_semaphore, #tpu.memory_space<semaphore_mem>>
    %dma_wait3A_116 = tpu.memref_squeeze %dma_wait3A_115 : memref<1x!tpu.dma_semaphore, #tpu.memory_space<semaphore_mem>> -> memref<!tpu.dma_semaphore, #tpu.memory_space<semaphore_mem>>
    %dma_wait3A_117 = arith.constant 0 : i32
    %dma_wait3A_118 = tpu.memref_slice %arg3[%add3A_111, %dma_wait3A_117] : memref<4096x1024xf32, #tpu.memory_space<hbm>> -> memref<32x1024xf32, #tpu.memory_space<hbm>>
    tpu.wait_dma2 semaphore(%dma_wait3A_116 : memref<!tpu.dma_semaphore, #tpu.memory_space<semaphore_mem>>) src(%dma_wait3A_118 : memref<32x1024xf32, #tpu.memory_space<hbm>>) dst(%arg5 : memref<32x1024xf32, #tpu.memory_space<vmem>>)
    %add3A_119 = arith.constant 2048 : i32
    %add3A_120 = arith.addi %add3A_119, %mul3A_2 : i32
    %add3A_121 = arith.constant 32 : i32
    %add3A_122 = arith.addi %add3A_120, %add3A_121 : i32
    %dma_start3A_123 = arith.constant 0 : i32
    %dma_start3A_124 = arith.constant 0 : i32
    %dma_start3A_125 = tpu.memref_slice %arg4[%add3A_122, %dma_start3A_124] : memref<4096x1024xf32, #tpu.memory_space<hbm>> -> memref<32x1024xf32, #tpu.memory_space<hbm>>
    %dma_start3A_126 = tpu.memref_slice %arg9[%dma_start3A_123] : memref<3x!tpu.dma_semaphore, #tpu.memory_space<semaphore_mem>> -> memref<1x!tpu.dma_semaphore, #tpu.memory_space<semaphore_mem>>
    %dma_start3A_127 = tpu.memref_squeeze %dma_start3A_126 : memref<1x!tpu.dma_semaphore, #tpu.memory_space<semaphore_mem>> -> memref<!tpu.dma_semaphore, #tpu.memory_space<semaphore_mem>>
    %dma_start3A_128 = arith.constant 0 : i32
    %dma_start3A_129 = tpu.memref_slice %arg4[%add3A_122, %dma_start3A_128] : memref<4096x1024xf32, #tpu.memory_space<hbm>> -> memref<32x1024xf32, #tpu.memory_space<hbm>>
    tpu.enqueue_dma source(%arg5 : memref<32x1024xf32, #tpu.memory_space<vmem>>) target(%dma_start3A_129 : memref<32x1024xf32, #tpu.memory_space<hbm>>) target_semaphore(%dma_start3A_127 : memref<!tpu.dma_semaphore, #tpu.memory_space<semaphore_mem>>)
    %add3A_130 = arith.constant 32 : i32
    %add3A_131 = arith.addi %mul3A_2, %add3A_130 : i32
    %dma_wait3A_132 = arith.constant 1 : i32
    %dma_wait3A_133 = arith.constant 0 : i32
    %dma_wait3A_134 = tpu.memref_slice %arg4[%add3A_131, %dma_wait3A_133] : memref<4096x1024xf32, #tpu.memory_space<hbm>> -> memref<32x1024xf32, #tpu.memory_space<hbm>>
    %dma_wait3A_135 = tpu.memref_slice %arg9[%dma_wait3A_132] : memref<3x!tpu.dma_semaphore, #tpu.memory_space<semaphore_mem>> -> memref<1x!tpu.dma_semaphore, #tpu.memory_space<semaphore_mem>>
    %dma_wait3A_136 = tpu.memref_squeeze %dma_wait3A_135 : memref<1x!tpu.dma_semaphore, #tpu.memory_space<semaphore_mem>> -> memref<!tpu.dma_semaphore, #tpu.memory_space<semaphore_mem>>
    %dma_wait3A_137 = arith.constant 0 : i32
    %dma_wait3A_138 = tpu.memref_slice %arg4[%add3A_131, %dma_wait3A_137] : memref<4096x1024xf32, #tpu.memory_space<hbm>> -> memref<32x1024xf32, #tpu.memory_space<hbm>>
    tpu.wait_dma2 semaphore(%dma_wait3A_136 : memref<!tpu.dma_semaphore, #tpu.memory_space<semaphore_mem>>) src(%arg6 : memref<32x1024xf32, #tpu.memory_space<vmem>>) dst(%dma_wait3A_138 : memref<32x1024xf32, #tpu.memory_space<hbm>>)
    %add3A_139 = arith.constant 2048 : i32
    %add3A_140 = arith.addi %add3A_139, %mul3A_2 : i32
    %add3A_141 = arith.constant 0 : i32
    %add3A_142 = arith.addi %add3A_140, %add3A_141 : i32
    %dma_wait3A_143 = arith.constant 2 : i32
    %dma_wait3A_144 = arith.constant 0 : i32
    %dma_wait3A_145 = tpu.memref_slice %arg4[%add3A_142, %dma_wait3A_144] : memref<4096x1024xf32, #tpu.memory_space<hbm>> -> memref<32x1024xf32, #tpu.memory_space<hbm>>
    %dma_wait3A_146 = tpu.memref_slice %arg9[%dma_wait3A_143] : memref<3x!tpu.dma_semaphore, #tpu.memory_space<semaphore_mem>> -> memref<1x!tpu.dma_semaphore, #tpu.memory_space<semaphore_mem>>
    %dma_wait3A_147 = tpu.memref_squeeze %dma_wait3A_146 : memref<1x!tpu.dma_semaphore, #tpu.memory_space<semaphore_mem>> -> memref<!tpu.dma_semaphore, #tpu.memory_space<semaphore_mem>>
    %dma_wait3A_148 = arith.constant 0 : i32
    %dma_wait3A_149 = tpu.memref_slice %arg4[%add3A_142, %dma_wait3A_148] : memref<4096x1024xf32, #tpu.memory_space<hbm>> -> memref<32x1024xf32, #tpu.memory_space<hbm>>
    tpu.wait_dma2 semaphore(%dma_wait3A_147 : memref<!tpu.dma_semaphore, #tpu.memory_space<semaphore_mem>>) src(%arg7 : memref<32x1024xf32, #tpu.memory_space<vmem>>) dst(%dma_wait3A_149 : memref<32x1024xf32, #tpu.memory_space<hbm>>)
    %add3A_150 = arith.constant 2048 : i32
    %add3A_151 = arith.addi %add3A_150, %mul3A_2 : i32
    %add3A_152 = arith.constant 32 : i32
    %add3A_153 = arith.addi %add3A_151, %add3A_152 : i32
    %dma_wait3A_154 = arith.constant 0 : i32
    %dma_wait3A_155 = arith.constant 0 : i32
    %dma_wait3A_156 = tpu.memref_slice %arg4[%add3A_153, %dma_wait3A_155] : memref<4096x1024xf32, #tpu.memory_space<hbm>> -> memref<32x1024xf32, #tpu.memory_space<hbm>>
    %dma_wait3A_157 = tpu.memref_slice %arg9[%dma_wait3A_154] : memref<3x!tpu.dma_semaphore, #tpu.memory_space<semaphore_mem>> -> memref<1x!tpu.dma_semaphore, #tpu.memory_space<semaphore_mem>>
    %dma_wait3A_158 = tpu.memref_squeeze %dma_wait3A_157 : memref<1x!tpu.dma_semaphore, #tpu.memory_space<semaphore_mem>> -> memref<!tpu.dma_semaphore, #tpu.memory_space<semaphore_mem>>
    %dma_wait3A_159 = arith.constant 0 : i32
    %dma_wait3A_160 = tpu.memref_slice %arg4[%add3A_153, %dma_wait3A_159] : memref<4096x1024xf32, #tpu.memory_space<hbm>> -> memref<32x1024xf32, #tpu.memory_space<hbm>>
    tpu.wait_dma2 semaphore(%dma_wait3A_158 : memref<!tpu.dma_semaphore, #tpu.memory_space<semaphore_mem>>) src(%arg5 : memref<32x1024xf32, #tpu.memory_space<vmem>>) dst(%dma_wait3A_160 : memref<32x1024xf32, #tpu.memory_space<hbm>>)
    return
  }
}

module attributes {stable_mosaic.version = 14 : i64} {
  func.func @_tc_body(%arg0: i32, %arg1: memref<1024x1024xf32, #tpu.memory_space<vmem>>, %arg2: memref<1024x1024xf32, #tpu.memory_space<vmem>>, %arg3: memref<1024x1024xf32, #tpu.memory_space<vmem>>) attributes {dimension_semantics = [#tpu.dimension_semantics<arbitrary>], iteration_bounds = array<i64: 4>, scalar_prefetch = 0 : i64, scratch_operands = 0 : i64, tpu.core_type = #tpu.core_type<tc>, window_params = [{transform_indices = @transform_0, window_bounds = array<i64: 1024, 1024>}, {transform_indices = @transform_1, window_bounds = array<i64: 1024, 1024>}, {transform_indices = @transform_2, window_bounds = array<i64: 1024, 1024>}]} {
    %lt3A = arith.constant 2 : i32
    %lt3A_0 = arith.cmpi slt, %arg0, %lt3A : i32
    %convert_element_type3A = arith.extui %lt3A_0 : i1 to i32
    %cond3A = arith.constant 0 : i32
    %cond3A_1 = arith.cmpi ne, %convert_element_type3A, %cond3A : i32
    scf.if %cond3A_1 {
      %get3A = arith.constant 0 : index
      %get3A_6 = arith.constant 0 : index
      %get3A_7 = vector.load %arg1[%get3A, %get3A_6] : memref<1024x1024xf32, #tpu.memory_space<vmem>>, vector<1024x1024xf32>
      %swap3A = arith.constant 0 : index
      %swap3A_8 = arith.constant 0 : index
      %swap3A_9 = vector.load %arg3[%swap3A, %swap3A_8] : memref<1024x1024xf32, #tpu.memory_space<vmem>>, vector<1024x1024xf32>
      tpu.vector_store %arg3[%swap3A, %swap3A_8], %get3A_7 {strides = array<i32>} : memref<1024x1024xf32, #tpu.memory_space<vmem>>, vector<1024x1024xf32>,
    } else {
    }
    %ge3A = arith.constant 2 : i32
    %ge3A_2 = arith.cmpi sge, %arg0, %ge3A : i32
    %convert_element_type3A_3 = arith.extui %ge3A_2 : i1 to i32
    %cond3A_4 = arith.constant 0 : i32
    %cond3A_5 = arith.cmpi ne, %convert_element_type3A_3, %cond3A_4 : i32
    scf.if %cond3A_5 {
      %get3A = arith.constant 0 : index
      %get3A_6 = arith.constant 0 : index
      %get3A_7 = vector.load %arg2[%get3A, %get3A_6] : memref<1024x1024xf32, #tpu.memory_space<vmem>>, vector<1024x1024xf32>
      %swap3A = arith.constant 0 : index
      %swap3A_8 = arith.constant 0 : index
      %swap3A_9 = vector.load %arg3[%swap3A, %swap3A_8] : memref<1024x1024xf32, #tpu.memory_space<vmem>>, vector<1024x1024xf32>
      tpu.vector_store %arg3[%swap3A, %swap3A_8], %get3A_7 {strides = array<i32>} : memref<1024x1024xf32, #tpu.memory_space<vmem>>, vector<1024x1024xf32>,
    } else {
    }
    return
  }
  func.func @transform_0(%arg0: i32) -> (i32, i32) {
    %min3A = arith.constant 1 : i32
    %min3A_0 = arith.minsi %arg0, %min3A : i32
    %c0_i32 = arith.constant 0 : i32
    %c0_i32_1 = arith.constant 0 : i32
    return %min3A_0, %c0_i32 : i32, i32
  }
  func.func @transform_1(%arg0: i32) -> (i32, i32) {
    %max3A = arith.constant 2 : i32
    %max3A_0 = arith.maxsi %arg0, %max3A : i32
    %c0_i32 = arith.constant 0 : i32
    %c0_i32_1 = arith.constant 0 : i32
    return %max3A_0, %c0_i32 : i32, i32
  }
  func.func @transform_2(%arg0: i32) -> (i32, i32) {
    %c0_i32 = arith.constant 0 : i32
    %c0_i32_0 = arith.constant 0 : i32
    return %arg0, %c0_i32 : i32, i32
  }
}

</mosaic_0001>

<sc_bundles>
// kernel: kernel.4.cloned.1.call-start
scs
__scs_entry_jumppad:
0x0: {  	(pc) =	sbr.rel $0x88, $3  }
0x1: {  	(tag) =	ssettag $0x0;
	lr =	simm.s32 $0x1  }
0x2: {  	[smem:$0x3F9C] =	sst lr;
	_ =	strace $0xD0000000  }
0x3: {  	_ = 	snop  }
0x4: {  	_ = 	snop  }
0x5: {  	_ = 	snop  }
0x6: {  	_ = 	snop  }
0x7: {  	_ = 	snop  }
__scs_overlays_trampoline_lowered:
0x8: {  	[smem:$0x3FAB] =	sst s0  }
0x9: {  	[smem:$0x3FAC] =	sst s1  }
0xa: {  	[smem:$0x3FAD] =	sst s2  }
0xb: {  	[smem:$0x3FAE] =	sst s3  }
0xc: {  	[smem:$0x3FAF] =	sst s4  }
0xd: {  	[smem:$0x3FB0] =	sst s5  }
0xe: {  	[smem:$0x3FB1] =	sst s6  }
0xf: {  	[smem:$0x3FB2] =	sst s7  }
0x10: {  	[smem:$0x3FB3] =	sst s8  }
0x11: {  	[smem:$0x3FB4] =	sst s9;
	s0 =	simm.s32 @!p0 $0x0  }
0x12: {  	s1 =	sld [smem:$0x3F9A];
	s0 =	simm.s32 @p0 $0x1  }
0x13: {  	[smem:$0x3FB5] =	sst s0;
	s0 =	simm.s32 @!p1 $0x0  }
0x14: {  	s2 =	sld [smem:$0x3F99];
	s0 =	simm.s32 @p1 $0x1  }
0x15: {  	[smem:$0x3FB6] =	sst s0;
	s0 =	simm.s32 @!p2 $0x0  }
0x16: {  	s3 =	sld [smem:$0x3FDB];
	s0 =	simm.s32 @p2 $0x1  }
0x17: {  	s4 =	simm.s32 $0x1BF5;
	[smem:$0x3FB8] =	sst s0  }
0x18: {  	s0 =	sld [smem:$0x3F9B];
	_ =	swait.ge [sflag:s4], $0x0  }
0x19: {  	s7 =	sld [smem:$0x3F9C]  }
0x1a: {  	s8 =	sadd.s32 $0xFFFFE003, lr  }
0x1b: {  	s9 =	sadd.s32 $0xFFFFFEF7, lr;
	s5 =	simm.s32 $0xFFFFFFFF;
	p2 =	slt.u32 s8, $0xFFFFF086  }
0x1c: {  	p1 =	slt.u32 s9, $0xF7A;
	s5 =	simm.s32 @!p2 $0x0  }
0x1d: {  	s5 =	simm.s32 @p1 $0x1;
	p0 =	seq.s32 s7, s2  }
0x1e: {  	s7 =	smul.u32 @!p0 $0xF7A, s2;
	p2 =	seq.s32 @!p0 s5, $0x0  }
0x1f: {  	s9 =	smul.u32 $0xF7A, s1;
	s8 =	simm.s32 @!p0 $0x1BF5;
	p2 =	por !p2, p0  }
0x20: {  	[sflag:s8] =	ssyncset.s32 @!p0 $0xFFFFF086;
	s6 =	sadd.s32 @!p0 s3, s7;
	s7 =	simm.s32 @!p0 $0x108  }
0x21: {  	s3 =	sadd.s32 s3, s9;
	s6 =	sadd.s32 @!p0 $0x88, s6;
	s7 =	simm.s32 @p2 $0x1082  }
0x22: {  	[simem:s7], [sflag:s8] =	dma.local @!p0 [hbm:s6], $0xF7A  }
0x23: {  	s9 =	sor.u32 $0xD0000000, s2;
	s6 =	simm.s32 $0x108;
	_ =	swait.ge @!p0 [sflag:s8], $0x0  }
0x24: {  	s3 =	sadd.s32 $0x88, s3;
	s6 =	simm.s32 @!p1 $0x1082;
	[sflag:s4] =	ssyncset.s32 $0xFFFFF086  }
0x25: {  	[simem:s6], [sflag:s4] =	dma.local [hbm:s3], $0xF7A  }
0x26: {  	[smem:$0x3F9C] =	sst s1;
	(tag) =	ssettag s2;
	_ =	strace s9  }
0x27: {  	s1 =	sld [smem:$0x3FAC]  }
0x28: {  	s2 =	sld [smem:$0x3FAD]  }
0x29: {  	s4 =	sld [smem:$0x3FAF]  }
0x2a: {  	p0 =	seq.s32 s5, $0x0;
	s5 =	sld [smem:$0x3FB0]  }
0x2b: {  	s6 =	sld [smem:$0x3FB1]  }
0x2c: {  	s7 =	sld [smem:$0x3FB2]  }
0x2d: {  	s3 =	simm.s32 $0x108;
	s8 =	sld [smem:$0x3FB3]  }
0x2e: {  	s3 =	simm.s32 @!p0 $0x1082;
	s9 =	sld [smem:$0x3FB4]  }
0x2f: {  	lr =	sadd.s32 s0, s3;
	s0 =	sld [smem:$0x3FAB]  }
0x30: {  	s3 =	sld [smem:$0x3FAE]  }
0x31: {  	[smem:$0x3FB7] =	sst s10  }
0x32: {  	s10 =	sld [smem:$0x3FB5];
	_ =	sdelay $0x3  }
0x33: {  	p0 =	seq.s32 s10, $0x1;
	s10 =	sld [smem:$0x3FB7];
	_ =	sdelay $0x3  }
0x34: {  	[smem:$0x3FB7] =	sst s10  }
0x35: {  	s10 =	sld [smem:$0x3FB6];
	_ =	sdelay $0x3  }
0x36: {  	p1 =	seq.s32 s10, $0x1;
	s10 =	sld [smem:$0x3FB7];
	_ =	sdelay $0x3  }
0x37: {  	[smem:$0x3FB7] =	sst s10  }
0x38: {  	s10 =	sld [smem:$0x3FB8]  }
0x39: {  	_ = 	snop;
	(pc) =	sbr.ind lr, $3  }
0x3a: {  	_ = 	snop  }
0x3b: {  	_ = 	snop  }
0x3c: {  	p2 =	seq.s32 s10, $0x1;
	s10 =	sld [smem:$0x3FB7]  }
0x3d: {  	_ =	shalt  }
0x3e: {  	_ =	shalt  }
0x3f: {  	_ =	shalt  }
0x40: {  	_ =	shalt  }
0x41: {  	_ =	shalt  }
0x42: {  	_ =	shalt  }
0x43: {  	_ =	shalt  }
0x44: {  	_ =	shalt  }
0x45: {  	_ =	shalt  }
0x46: {  	_ =	shalt  }
0x47: {  	_ =	shalt  }
0x48: {  	_ =	shalt  }
0x49: {  	_ =	shalt  }
0x4a: {  	_ =	shalt  }
0x4b: {  	_ =	shalt  }
0x4c: {  	_ =	shalt  }
0x4d: {  	_ =	shalt  }
0x4e: {  	_ =	shalt  }
0x4f: {  	_ =	shalt  }
0x50: {  	_ =	shalt  }
0x51: {  	_ =	shalt  }
0x52: {  	_ =	shalt  }
0x53: {  	_ =	shalt  }
0x54: {  	_ =	shalt  }
0x55: {  	_ =	shalt  }
0x56: {  	_ =	shalt  }
0x57: {  	_ =	shalt  }
0x58: {  	_ =	shalt  }
0x59: {  	_ =	shalt  }
0x5a: {  	_ =	shalt  }
0x5b: {  	_ =	shalt  }
0x5c: {  	_ =	shalt  }
0x5d: {  	_ =	shalt  }
0x5e: {  	_ =	shalt  }
0x5f: {  	_ =	shalt  }
0x60: {  	_ =	shalt  }
0x61: {  	_ =	shalt  }
0x62: {  	_ =	shalt  }
0x63: {  	_ =	shalt  }
0x64: {  	_ =	shalt  }
0x65: {  	_ =	shalt  }
0x66: {  	_ =	shalt  }
0x67: {  	_ =	shalt  }
0x68: {  	_ =	shalt  }
0x69: {  	_ =	shalt  }
0x6a: {  	_ =	shalt  }
0x6b: {  	_ =	shalt  }
0x6c: {  	_ =	shalt  }
0x6d: {  	_ =	shalt  }
0x6e: {  	_ =	shalt  }
0x6f: {  	_ =	shalt  }
0x70: {  	_ =	shalt  }
0x71: {  	_ =	shalt  }
0x72: {  	_ =	shalt  }
0x73: {  	_ =	shalt  }
0x74: {  	_ =	shalt  }
0x75: {  	_ =	shalt  }
0x76: {  	_ =	shalt  }
0x77: {  	_ =	shalt  }
0x78: {  	_ =	shalt  }
0x79: {  	_ =	shalt  }
0x7a: {  	_ =	shalt  }
0x7b: {  	_ =	shalt  }
0x7c: {  	_ =	shalt  }
0x7d: {  	_ =	shalt  }
0x7e: {  	_ =	shalt  }
0x7f: {  	_ =	shalt  }
0x80: {  	_ =	shalt  }
0x81: {  	_ =	shalt  }
0x82: {  	_ =	shalt  }
0x83: {  	_ =	shalt  }
0x84: {  	_ =	shalt  }
0x85: {  	_ =	shalt  }
0x86: {  	_ =	shalt  }
0x87: {  	_ =	shalt  }
.Lfunc_end0:
.L_simem_size_0:
called_computation_lowered:
.L_overlay_start_0:
0x88: {  	s2 =	sld [smem:$0x3FD9]  }
0x89: {  	s3 =	sld [smem:$0x3FFE];
	_ =	sdelay $0x1  }
0x8a: {  	s1 =	srdreg.scid  }
0x8b: {  	s0 =	sand.u32 $0x1, s1  }
0x8c: {  	s15 =	sshll.u32 s0, $0xA;
	s2 =	sadd.s32 s3, s2  }
0x8d: {  	s2 =	sadd.s32 s2, s15  }
0x8e: {  	[smem:$0x3FC3] =	sst s2  }
0x8f: {  	_ = 	snop  }
0x90: {  	s2 =	sld [smem:$0x3FD0];
	_ =	sdelay $0x1  }
0x91: {  	s16 =	sld [smem:$0x3FC8]  }
0x92: {  	s5 =	simm.s32 $0xA;
	s6 =	simm.s32 $0x10;
	s4 =	sld [smem:$0x3FC6]  }
0x93: {  	[smem:s6], [sflag:s5] =	dma.local [hbm:s2], $0x1  }
0x94: {  	_ =	swait.eq [sflag:s5], $0x1  }
0x95: {  	[sflag:s5] =	ssyncset.done $0x0  }
0x96: {  	[sflag:s5] =	ssyncadd.s32 $0xFFFFFFFF  }
0x97: {  	s17 =	sld [smem:$0x11];
	(tm) =	ssettm $0x1  }
0x98: {  	s18 =	sld [smem:$0x3FFB];
	_ =	sdelay $0x3  }
0x99: {  	_ =	strace s18  }
0x9a: {  	s5 =	sld [smem:$0x3FFC];
	_ =	sdelay $0x3  }
0x9b: {  	_ =	strace s5  }
0x9c: {  	s5 =	sld [smem:$0x3FFD];
	_ =	sdelay $0x3  }
0x9d: {  	_ =	strace s5  }
0x9e: {  	_ =	strace $0x8FFFFFFF  }
0x9f: {  	s19 =	sld [smem:$0x3FDB];
	_ =	sdelay $0x1  }
0xa0: {  	s20 =	simm.s32 $_scs_section_size  }
0xa1: {  	s7 =	simm.s32 $_size__tile_overlayer_lowered;
	s8 =	simm.s32 $_tile_overlayer_lowered  }
0xa2: {  	s23 =	simm.s32 $0x1BFF;
	s22 =	sshll.u32 s8, $0x1;
	s5 =	sadd.s32 s20, s19  }
0xa3: {  	s9 =	simm.s32 $0x0;
	s21 =	sshll.u32 s7, $0x1;
	s7 =	sadd.s32 s22, s5  }
0xa4: {  	[timem:s9], [sflag:s23] =	dma.local [hbm:s7], s21  }
0xa5: {  	_ =	swait.ge [sflag:s23], s21  }
0xa6: {  	s6 =	ssub.s32 $0x0, s21;
	[sflag:s23] =	ssyncset.done $0x0  }
0xa7: {  	[sflag:s23] =	ssyncadd.s32 s6;
	_ =	sdelay $0x1  }
0xa8: {  	s24 =	simm.s32 $0x1B8B  }
0xa9: {  	_ =	swait.ge [sflag:s24], $0x1  }
0xaa: {  	[sflag:s24] =	ssyncset.done $0x0  }
0xab: {  	s25 =	simm.s32 $0x1B8E;
	[sflag:s24] =	ssyncadd.s32 $0xFFFFFFFF  }
0xac: {  	s26 =	simm.s32 $execute0_lowered;
	[smem:$0x3FD2] =	sst s25  }
0xad: {  	s6 =	sshll.u32 s26, $0x1;
	_ =	strace $0x80000046;
	[dreg:$0x1] =	wrdreg $0xFFFFFFFF  }
0xae: {  	s28 =	simm.s32 $_size_execute0_lowered;
	s5 =	sadd.s32 s5, s6;
	[dreg:$0x0] =	wrdreg $0x0  }
0xaf: {  	s6 =	sshll.u32 s28, $0x1;
	[dreg:$0x2] =	wrdreg s5  }
0xb0: {  	[dreg:$0x3] =	wrdreg s6  }
0xb1: {  	[dreg:$0x4] =	wrdreg $0xC0  }
0xb2: {  	_ =	task [dreg:s9], $0x5FFFF  }
0xb3: {  	[dreg:$0x1] =	wrdreg $0xFFFFFFFF  }
0xb4: {  	[dreg:$0x0] =	wrdreg $0x60  }
0xb5: {  	[dreg:$0x2] =	wrdreg s16  }
0xb6: {  	[dreg:$0x3] =	wrdreg s4  }
0xb7: {  	[dreg:$0x4] =	wrdreg s17  }
0xb8: {  	[dreg:$0x5] =	wrdreg $0x9  }
0xb9: {  	_ =	task.clear_ibuf [dreg:s9], $0x6FFFF;
	_ =	strace $0x90000046  }
0xba: {  	s29 =	simm.s32 $0x9;
	_ =	strace $0x80000048  }
0xbb: {  	_ =	swait.ge [sflag:s29], $0x1  }
0xbc: {  	[sflag:s29] =	ssyncadd.s32 $0xFFFFFFFF  }
0xbd: {  	_ =	strace $0x90000048  }
0xbe: {  	_ =	sfence  }
0xbf: {  	s30 =	sld [smem:$0x0];
	_ =	sdelay $0x2  }
0xc0: {  	s31 =	sshll.u32 s1, $0xD;
	s1 =	sshrl.u32 s1, $0x2  }
0xc1: {  	s3 =	sand.u32 $0x4000, s31;
	s1 =	sadd.s32 s1, s30  }
0xc2: {  	s0 =	sor.u32 s3, s0;
	s1 =	sshll.u32 s1, $0x11  }
0xc3: {  	s0 =	sor.u32 s1, s0  }
0xc4: {  	s0 =	sadd.s32 $0x8F2B, s0  }
0xc5: {  	[sflag:s0] =	ssyncadd.remote.s32 $0x1  }
0xc6: {  	_ =	sfence.sel $0xFFFF  }
0xc7: {  	[dreg:$0x0] =	wrdreg $0xFFFFFFFF;
	(pc) =	sbr.abs _section_cstart, $3  }
0xc8: {  	[dreg:$0x1] =	wrdreg $0xFFFFFFFF  }
0xc9: {  	_ =	task.clear_ibuf [dreg:s9], $0x2FFFF;
	_ =	strace $0x9FFFFFFF  }
0xca: {  	(tm) =	ssettm $0x7FFFFFFF  }
0xcb: {  	_ =	shalt  }
tec
execute0_lowered:
.L_overlay_start_1:
0x0: {  	(tag) =	ssettag $0x1  }
0x1: {  	s4 =	rddreg [dreg:$0x0]  }
0x2: {  	s11 =	rddreg [dreg:$0x1]  }
0x3: {  	s16 =	rddreg [dreg:$0x2];
	s2 =	srdreg.scid  }
0x4: {  	s0 =	rddreg [dreg:$0x3];
	s1 =	stileid.u32;
	s18 =	sand.u32 $0x1, s2  }
0x5: {  	s2 =	simm.s32 $0x0;
	s3 =	sshll.u32 s1, $0xE;
	s5 =	sshll.u32 s18, $0xD  }
0x6: {  	[smem:$0x7FF] =	sst s2;
	s12 =	sor.u32 s5, s3  }
0x7: {  	_ =	strace $0x80000047;
	s3 =	sadd.s32 s4, s12;
	s13 =	sor.u32 $0x1000, s12  }
0x8: {  	[tilespmem:s2], [sflag:$0x1] =	stream.linear.gather [hbm4b:s3+s2], $0x8000, $0x38;
	[tilespmem:$0x18000] =	vst v63  }
0x9: {  	s5 =	simm.s32 $0x8000;
	s15 =	sor.u32 $0x40000, s12;
	s4 =	sadd.s32 s4, s13  }
0xa: {  	[tilespmem:s5], [sflag:$0x2] =	stream.linear.gather [hbm4b:s4+s2], $0x8000, $0x38;
	[tilespmem:$0x18000] =	vst v63  }
0xb: {  	s7 =	simm.s32 $0x10000;
	s8 =	simm.s32 $0x1;
	s6 =	sadd.s32 s11, s15  }
0xc: {  	[tilespmem:s7], [sflag:$0x3] =	stream.linear.gather [hbm4b:s6+s2], $0x8000, $0x38;
	[tilespmem:$0x18000] =	vst v63  }
0xd: {  	_ =	swait.ge [sflag:s8], $0x8000  }
0xe: {  	[sflag:s8] =	ssyncset.done $0x0  }
0xf: {  	s9 =	simm.s32 $0x4;
	s10 =	sadd.s32 s16, s12;
	[sflag:s8] =	ssyncadd.s32 $0xFFFF8000  }
0x10: {  	[hbm4b:s10+s2] =	stream.linear.scatter [tilespmem:s2], [sflag:$0x4], $0x8000, $0x38;
	[tilespmem:$0x18000] =	vst v63  }
0x11: {  	_ =	swait.ge [sflag:s9], $0x8000  }
0x12: {  	s17 =	sor.u32 $0x41000, s12;
	[sflag:s9] =	ssyncset.done $0x0  }
0x13: {  	s12 =	simm.s32 $0x2;
	s11 =	sadd.s32 s11, s17;
	[sflag:s9] =	ssyncadd.s32 $0xFFFF8000  }
0x14: {  	[tilespmem:s2], [sflag:$0x1] =	stream.linear.gather [hbm4b:s11+s2], $0x8000, $0x38;
	[tilespmem:$0x18000] =	vst v63  }
0x15: {  	_ =	swait.ge [sflag:s12], $0x8000  }
0x16: {  	[sflag:s12] =	ssyncset.done $0x0  }
0x17: {  	s14 =	simm.s32 $0x3;
	s13 =	sadd.s32 s16, s13;
	[sflag:s12] =	ssyncadd.s32 $0xFFFF8000  }
0x18: {  	[hbm4b:s13+s2] =	stream.linear.scatter [tilespmem:s5], [sflag:$0x5], $0x8000, $0x38;
	[tilespmem:$0x18000] =	vst v63  }
0x19: {  	_ =	swait.ge [sflag:s14], $0x8000  }
0x1a: {  	[sflag:s14] =	ssyncset.done $0x0  }
0x1b: {  	s15 =	sadd.s32 s16, s15;
	[sflag:s14] =	ssyncadd.s32 $0xFFFF8000  }
0x1c: {  	[hbm4b:s15+s2] =	stream.linear.scatter [tilespmem:s7], [sflag:$0x6], $0x8000, $0x38;
	[tilespmem:$0x18000] =	vst v63  }
0x1d: {  	s19 =	ssub.s32 $0x2, s18;
	_ =	swait.ge [sflag:s8], $0x8000  }
0x1e: {  	s20 =	sshrl.u32 s19, $0x1;
	[sflag:s8] =	ssyncset.done $0x0  }
0x1f: {  	s16 =	sadd.s32 s16, s17;
	s17 =	simm.s32 $0x5;
	[sflag:s8] =	ssyncadd.s32 $0xFFFF8000  }
0x20: {  	[hbm4b:s16+s2] =	stream.linear.scatter [tilespmem:s2], [sflag:$0x4], $0x8000, $0x38;
	[tilespmem:$0x18000] =	vst v63  }
0x21: {  	s19 =	ssub.s32 s19, s20;
	_ =	swait.ge [sflag:s17], $0x8000  }
0x22: {  	s19 =	smax.u32 s19, $0x1;
	[sflag:s17] =	ssyncset.done $0x0  }
0x23: {  	s18 =	simm.s32 $0x6;
	p0 =	sne.s32 s19, $0x1;
	[sflag:s17] =	ssyncadd.s32 $0xFFFF8000  }
.Ltmp0:
0x24: {  	_ =	swait.ge [sflag:s18], $0x8000;
	(pc) =	sbr.rel @!p0 .LBB2_2-.Ltmp0, $4  }
0x25: {  	[sflag:s18] =	ssyncset.done $0x0  }
0x26: {  	[sflag:s18] =	ssyncadd.s32 $0xFFFF8000  }
0x27: {  	_ =	swait.ge [sflag:s9], $0x8000  }
0x28: {  	s19 =	sadd.s32 $0xFFFFFFFF, s19;
	[sflag:s9] =	ssyncset.done $0x0  }
.LBB2_1:
0x29: {  	p0 =	sne.s32 s19, $0x1;
	s19 =	sadd.s32 $0xFFFFFFFF, s19;
	[sflag:s9] =	ssyncadd.s32 $0xFFFF8000  }
0x2a: {  	[tilespmem:s2], [sflag:$0x1] =	stream.linear.gather [hbm4b:s3+s2], $0x8000, $0x38;
	[tilespmem:$0x18000] =	vst v63  }
0x2b: {  	_ = 	snop  }
0x2c: {  	[tilespmem:s5], [sflag:$0x2] =	stream.linear.gather [hbm4b:s4+s2], $0x8000, $0x38;
	[tilespmem:$0x18000] =	vst v63  }
0x2d: {  	_ = 	snop  }
0x2e: {  	[tilespmem:s7], [sflag:$0x3] =	stream.linear.gather [hbm4b:s6+s2], $0x8000, $0x38;
	[tilespmem:$0x18000] =	vst v63  }
0x2f: {  	_ =	swait.ge [sflag:s8], $0x8000  }
0x30: {  	[sflag:s8] =	ssyncset.done $0x0  }
0x31: {  	[sflag:s8] =	ssyncadd.s32 $0xFFFF8000  }
0x32: {  	[hbm4b:s10+s2] =	stream.linear.scatter [tilespmem:s2], [sflag:$0x4], $0x8000, $0x38;
	[tilespmem:$0x18000] =	vst v63  }
0x33: {  	_ =	swait.ge [sflag:s9], $0x8000  }
0x34: {  	[sflag:s9] =	ssyncset.done $0x0  }
0x35: {  	[sflag:s9] =	ssyncadd.s32 $0xFFFF8000  }
0x36: {  	[tilespmem:s2], [sflag:$0x1] =	stream.linear.gather [hbm4b:s11+s2], $0x8000, $0x38;
	[tilespmem:$0x18000] =	vst v63  }
0x37: {  	_ =	swait.ge [sflag:s12], $0x8000  }
0x38: {  	[sflag:s12] =	ssyncset.done $0x0  }
0x39: {  	[sflag:s12] =	ssyncadd.s32 $0xFFFF8000  }
0x3a: {  	[hbm4b:s13+s2] =	stream.linear.scatter [tilespmem:s5], [sflag:$0x5], $0x8000, $0x38;
	[tilespmem:$0x18000] =	vst v63  }
0x3b: {  	_ =	swait.ge [sflag:s14], $0x8000  }
0x3c: {  	[sflag:s14] =	ssyncset.done $0x0  }
0x3d: {  	[sflag:s14] =	ssyncadd.s32 $0xFFFF8000  }
0x3e: {  	[hbm4b:s15+s2] =	stream.linear.scatter [tilespmem:s7], [sflag:$0x6], $0x8000, $0x38;
	[tilespmem:$0x18000] =	vst v63  }
0x3f: {  	_ =	swait.ge [sflag:s8], $0x8000  }
0x40: {  	[sflag:s8] =	ssyncset.done $0x0  }
0x41: {  	[sflag:s8] =	ssyncadd.s32 $0xFFFF8000  }
0x42: {  	[hbm4b:s16+s2] =	stream.linear.scatter [tilespmem:s2], [sflag:$0x4], $0x8000, $0x38;
	[tilespmem:$0x18000] =	vst v63  }
0x43: {  	_ =	swait.ge [sflag:s17], $0x8000  }
0x44: {  	[sflag:s17] =	ssyncset.done $0x0  }
0x45: {  	[sflag:s17] =	ssyncadd.s32 $0xFFFF8000  }
.Ltmp1:
0x46: {  	_ =	swait.ge [sflag:s18], $0x8000;
	(pc) =	sbr.rel @p0 .LBB2_1-.Ltmp1, $4  }
0x47: {  	[sflag:s18] =	ssyncset.done $0x0  }
0x48: {  	[sflag:s18] =	ssyncadd.s32 $0xFFFF8000  }
0x49: {  	_ =	swait.ge [sflag:s9], $0x8000  }
0x4a: {  	[sflag:s9] =	ssyncset.done $0x0  }
.LBB2_2:
0x4b: {  	[sflag:s9] =	ssyncadd.s32 $0xFFFF8000  }
0x4c: {  	_ =	sfence.sel $0x180000  }
0x4d: {  	[bflag:$0x0] =	sbarrier.arrive $0xFFFF  }
0x4e: {  	p0 =	sne.s32 s1, $0x0;
	_ =	strace $0x90000047  }
0x4f: {  	s0 =	sadd.s32 @!p0 $0x100000, s0;
	[bflag:$0x2] =	sbarrier.arrive $0xFFFF  }
0x50: {  	[sflag:s0] =	ssyncadd.tile.s32 @!p0 $0x1;
	_ =	shalt  }
.Lfunc_end2:
_tile_overlayer_lowered:
.L_overlay_start_2:
0x51: {  	(tag) =	ssettag $0x2  }
0x52: {  	s0 =	rddreg [dreg:$0x0];
	s2 =	stileid.u32  }
0x53: {  	s1 =	rddreg [dreg:$0x1];
	p0 =	sne.s32 s2, $0x0  }
0x54: {  	s3 =	rddreg [dreg:$0x2];
	[bflag:$0x3] =	sbarrier.arrive $0xFFFF;
	s2 =	simm.s32 @!p0 $0x1C07  }
0x55: {  	[timem:s3], [sflag:s2] =	dma.local @!p0 [hbm:s0], s1  }
0x56: {  	s0 =	simm.s32 @!p0 $0x7  }
0x57: {  	_ =	swait.ge @!p0 [sflag:s0], s1  }
0x58: {  	s1 =	ssub.s32 @!p0 $0x0, s1;
	[sflag:s0] =	ssyncset.done @!p0 $0x0  }
0x59: {  	[sflag:s0] =	ssyncadd.s32 @!p0 s1  }
0x5a: {  	[bflag:$0x3] =	sbarrier.arrive $0xFFFF  }
0x5b: {  	_ =	shalt  }

</sc_bundles>
